<compile_context>
chip_gen: v7x
topology: tpu7x:2x2x1
jax: 0.10.2.dev20260603
libtpu: 0.0.44.dev20260713+nightly
codegen_flags: <defaults>
</compile_context>

<pallas_src>
import functools

import jax
import jax.numpy as jnp
from jax import lax
from jax.experimental import pallas as pl
from jax.experimental.pallas import tpu as pltpu
from jax.experimental.pallas import tpu_sc as plsc

_MARGIN = 5.0
_ZD = 64
_VOCAB = 100
_VPAD = 128
_B = 4096
_W = 50
_NC = 2
_NS = 16
_NW = _NC * _NS
_BPW = _B // _NW
_L = 16
_GRID = 2


def _scores_body(mu_ref, sq_ref, mtT_ref, lsT_ref, out_ref):
    mu = mu_ref[...]
    sq = sq_ref[...]
    mtT = mtT_ref[...]
    ls = lsT_ref[...]
    r = jnp.exp(-ls)
    n = jnp.sum(mtT * mtT, axis=0, keepdims=True)
    m = jnp.sum(mu * mu, axis=1, keepdims=True)
    d = jnp.dot(mu, mtT, preferred_element_type=jnp.float32)
    h = 32.0 * ls + (32.0 * sq + 0.5 * (m + n) - d) * r
    out_ref[...] = h - 32.0 * jnp.log(sq) - 32.0


def _sc_hinge_body(h_hbm, pk_hbm, out_hbm, h_v, pk_v, out_v):
    wid = lax.axis_index("s") * _NC + lax.axis_index("c")
    base = wid * _BPW
    pltpu.sync_copy(h_hbm.at[pl.ds(base, _BPW)], h_v)
    pltpu.sync_copy(pk_hbm.at[:, pl.ds(base, _BPW)], pk_v)
    lane = lax.iota(jnp.int32, _L)
    ngrp = _BPW // _L
    brows = [g * _L + lane for g in range(ngrp)]

    def body(w, accs):
        new = []
        for g in range(ngrp):
            pk = pk_v[w, pl.ds(g * _L, _L)]
            pv = pk & 127
            nv = lax.shift_right_logical(pk, 7)
            gp = plsc.load_gather(h_v, [brows[g], pv])
            gn = plsc.load_gather(h_v, [brows[g], nv])
            new.append(accs[g] + jnp.maximum(0.0, _MARGIN + gp - gn))
        return tuple(new)

    accs = plsc.parallel_loop(
        0, _W, 1, unroll=2,
        carry=tuple(jnp.zeros((_L,), jnp.float32) for _ in range(ngrp)))(body)
    for g in range(ngrp):
        out_v[pl.ds(g * _L, _L)] = accs[g]
    pltpu.sync_copy(out_v, out_hbm.at[pl.ds(base, _BPW)])


@jax.jit
def _impl(mu_q, sigma_q, pos, neg, mu_table, log_sigma_table):
    mtp = jnp.pad(mu_table, ((0, _VPAD - _VOCAB), (0, 0)))
    lsp = jnp.pad(log_sigma_table, ((0, _VPAD - _VOCAB), (0, 0)))
    bb = _B // _GRID
    h = pl.pallas_call(
        _scores_body,
        grid=(_GRID,),
        in_specs=[
            pl.BlockSpec((bb, _ZD), lambda i: (i, 0)),
            pl.BlockSpec((bb, 1), lambda i: (i, 0)),
            pl.BlockSpec((_ZD, _VPAD), lambda i: (0, 0)),
            pl.BlockSpec((1, _VPAD), lambda i: (0, 0)),
        ],
        out_specs=pl.BlockSpec((bb, _VPAD), lambda i: (i, 0)),
        out_shape=jax.ShapeDtypeStruct((_B, _VPAD), jnp.float32),
    )(mu_q, sigma_q, mtp.T, lsp.T)

    mesh = plsc.VectorSubcoreMesh(core_axis_name="c", subcore_axis_name="s")
    sc = functools.partial(
        pl.kernel,
        mesh=mesh,
        compiler_params=pltpu.CompilerParams(needs_layout_passes=False),
        out_type=jax.ShapeDtypeStruct((_B,), jnp.float32),
        scratch_types=[
            pltpu.VMEM((_BPW, _VPAD), jnp.float32),
            pltpu.VMEM((_W, _BPW), jnp.int32),
            pltpu.VMEM((_BPW,), jnp.float32),
        ],
    )(_sc_hinge_body)
    out = sc(h, (pos | (neg << 7)).T)
    return out.reshape(_B, 1)


def kernel(mu_q, sigma_q, pos_context_words, neg_context_words, mu_table, log_sigma_table):
    return _impl(mu_q, sigma_q, pos_context_words, neg_context_words,
                 mu_table, log_sigma_table)

# --- scband reference (transcript-rebuilt; emitter-appended) ---
"""Pipeline reference for scband-bsg-5600637354767 (READ-ONLY COPY).

The authoritative reference and input builder live on the scoring server;
editing this copy changes nothing except your own understanding.
"""

import jax, jax.numpy as jnp
import numpy as np

MARGIN = 5.0
Z_DIM = 64
VAR_DIM = 1  # spherical
VOCAB = 100
B = 4096
W = 50


def kl_div(mu_q, sigma_q, mu_p, sigma_p):
    # KL between two diagonal Gaussians where cov_diag = sigma * ones(dim)
    # (sigma entries are variances, matching torch LowRankMultivariateNormal cov_diag)
    dim = mu_q.shape[-1]
    s_q = jnp.broadcast_to(sigma_q, mu_q.shape)
    s_p = jnp.broadcast_to(sigma_p, mu_p.shape)
    term = jnp.log(s_p) - jnp.log(s_q) + s_q / s_p + (mu_p - mu_q) ** 2 / s_p
    return 0.5 * (jnp.sum(term, axis=-1) - dim)


def setup_inputs(seed: int = 0) -> dict:
    key = jax.random.key(seed)
    k1, k2, k3, k4, k5, k6 = jax.random.split(key, 6)
    mu_q = jax.random.normal(k1, (B, Z_DIM), dtype=jnp.float32)
    sigma_q = jax.random.uniform(k2, (B, VAR_DIM), dtype=jnp.float32)
    pos_context_words = jax.random.randint(k3, (B, W), 0, VOCAB, dtype=jnp.int32)
    neg_context_words = jax.random.randint(k4, (B, W), 0, VOCAB, dtype=jnp.int32)
    # learned parameters (embedding tables)
    mu_table = jax.random.normal(k5, (VOCAB, Z_DIM), dtype=jnp.float32) * 0.1
    log_sigma_table = jax.random.normal(k6, (VOCAB, VAR_DIM), dtype=jnp.float32) * 0.1
    return {
        'mu_q': mu_q,
        'sigma_q': sigma_q,
        'pos_context_words': pos_context_words,
        'neg_context_words': neg_context_words,
        'mu_table': mu_table,
        'log_sigma_table': log_sigma_table,
    }


def reference(mu_q, sigma_q, pos_context_words, neg_context_words, mu_table, log_sigma_table):
    b, w = pos_context_words.shape
    # broadcast query posterior over window
    mu_qe = jnp.broadcast_to(mu_q[:, None, :], (b, w, mu_q.shape[-1]))
    sigma_qe = jnp.broadcast_to(sigma_q[:, None, :], (b, w, sigma_q.shape[-1]))
    # prior lookups (embedding gathers)
    pos_mu_p = jnp.take(mu_table, pos_context_words, axis=0)
    pos_sigma_p = jnp.exp(jnp.take(log_sigma_table, pos_context_words, axis=0))
    neg_mu_p = jnp.take(mu_table, neg_context_words, axis=0)
    neg_sigma_p = jnp.exp(jnp.take(log_sigma_table, neg_context_words, axis=0))
    pos_kl = kl_div(mu_qe, sigma_qe, pos_mu_p, pos_sigma_p)[..., None]
    neg_kl = kl_div(mu_qe, sigma_qe, neg_mu_p, neg_sigma_p)[..., None]
    hinge = jnp.maximum(jnp.zeros((b, w, 1), dtype=mu_q.dtype), MARGIN + pos_kl - neg_kl)
    return jnp.sum(hinge, axis=1)  # [b, 1]


if False:  # reference __main__ guard neutralized (emitter)
    out = reference(**setup_inputs())
    print(out.shape)

if __name__ == "__main__":
    import jax
    _d = setup_inputs()
    print(jax.jit(kernel)(*tuple(_d.values())))

</pallas_src>

<mosaic_0001>
#map = affine_map<(d0, d1) -> (0, 0)>
#map1 = affine_map<(d0, d1) -> (0)>
module attributes {stable_mosaic.version = 14 : i64} {
  func.func @_sc_hinge_body(%arg0: i32, %arg1: i32, %arg2: memref<4096x128xf32, #tpu.memory_space<hbm>>, %arg3: memref<50x4096xi32, #tpu.memory_space<hbm>>, %arg4: memref<4096xf32, #tpu.memory_space<hbm>>, %arg5: memref<128x128xf32, #tpu.memory_space<vmem>>, %arg6: memref<50x128xi32, #tpu.memory_space<vmem>>, %arg7: memref<128xf32, #tpu.memory_space<vmem>>) attributes {dimension_semantics = [#tpu.dimension_semantics<core_parallel>, #tpu.dimension_semantics<subcore_parallel>], iteration_bounds = array<i64: 2, 16>, scalar_prefetch = 0 : i64, scratch_operands = 3 : i64, tpu.core_type = #tpu.core_type<sc_vector_subcore>, window_params = [{transform_indices = #map}, {transform_indices = #map}, {transform_indices = #map1}]} {
    %mul3A = arith.constant 2 : i32
    %mul3A_0 = arith.muli %arg1, %mul3A : i32
    %add3A = arith.addi %mul3A_0, %arg0 : i32
    %mul3A_1 = arith.constant 128 : i32
    %mul3A_2 = arith.muli %add3A, %mul3A_1 : i32
    "tpu.region"() ({
      %run_scoped3A = tpu.sem_alloc : memref<!tpu.dma_semaphore, #tpu.memory_space<semaphore_mem>>
      %dma_start3A = arith.constant 0 : i32
      %dma_start3A_60 = tpu.memref_slice %arg2[%mul3A_2, %dma_start3A] : memref<4096x128xf32, #tpu.memory_space<hbm>> -> memref<128x128xf32, #tpu.memory_space<hbm>>
      %dma_start3A_61 = arith.constant 0 : i32
      %dma_start3A_62 = tpu.memref_slice %arg2[%mul3A_2, %dma_start3A_61] : memref<4096x128xf32, #tpu.memory_space<hbm>> -> memref<128x128xf32, #tpu.memory_space<hbm>>
      tpu.enqueue_dma source(%dma_start3A_62 : memref<128x128xf32, #tpu.memory_space<hbm>>) target(%arg5 : memref<128x128xf32, #tpu.memory_space<vmem>>) target_semaphore(%run_scoped3A : memref<!tpu.dma_semaphore, #tpu.memory_space<semaphore_mem>>)
      %dma_wait3A = arith.constant 0 : i32
      %dma_wait3A_63 = tpu.memref_slice %arg2[%mul3A_2, %dma_wait3A] : memref<4096x128xf32, #tpu.memory_space<hbm>> -> memref<128x128xf32, #tpu.memory_space<hbm>>
      %dma_wait3A_64 = arith.constant 0 : i32
      %dma_wait3A_65 = tpu.memref_slice %arg2[%mul3A_2, %dma_wait3A_64] : memref<4096x128xf32, #tpu.memory_space<hbm>> -> memref<128x128xf32, #tpu.memory_space<hbm>>
      tpu.wait_dma2 semaphore(%run_scoped3A : memref<!tpu.dma_semaphore, #tpu.memory_space<semaphore_mem>>) src(%dma_wait3A_65 : memref<128x128xf32, #tpu.memory_space<hbm>>) dst(%arg5 : memref<128x128xf32, #tpu.memory_space<vmem>>)
      tpu.yield
    }) : () -> ()
    "tpu.region"() ({
      %run_scoped3A = tpu.sem_alloc : memref<!tpu.dma_semaphore, #tpu.memory_space<semaphore_mem>>
      %dma_start3A = arith.constant 0 : i32
      %dma_start3A_60 = tpu.memref_slice %arg3[%dma_start3A, %mul3A_2] : memref<50x4096xi32, #tpu.memory_space<hbm>> -> memref<50x128xi32, #tpu.memory_space<hbm>>
      %dma_start3A_61 = arith.constant 0 : i32
      %dma_start3A_62 = tpu.memref_slice %arg3[%dma_start3A_61, %mul3A_2] : memref<50x4096xi32, #tpu.memory_space<hbm>> -> memref<50x128xi32, #tpu.memory_space<hbm>>
      tpu.enqueue_dma source(%dma_start3A_62 : memref<50x128xi32, #tpu.memory_space<hbm>>) target(%arg6 : memref<50x128xi32, #tpu.memory_space<vmem>>) target_semaphore(%run_scoped3A : memref<!tpu.dma_semaphore, #tpu.memory_space<semaphore_mem>>)
      %dma_wait3A = arith.constant 0 : i32
      %dma_wait3A_63 = tpu.memref_slice %arg3[%dma_wait3A, %mul3A_2] : memref<50x4096xi32, #tpu.memory_space<hbm>> -> memref<50x128xi32, #tpu.memory_space<hbm>>
      %dma_wait3A_64 = arith.constant 0 : i32
      %dma_wait3A_65 = tpu.memref_slice %arg3[%dma_wait3A_64, %mul3A_2] : memref<50x4096xi32, #tpu.memory_space<hbm>> -> memref<50x128xi32, #tpu.memory_space<hbm>>
      tpu.wait_dma2 semaphore(%run_scoped3A : memref<!tpu.dma_semaphore, #tpu.memory_space<semaphore_mem>>) src(%dma_wait3A_65 : memref<50x128xi32, #tpu.memory_space<hbm>>) dst(%arg6 : memref<50x128xi32, #tpu.memory_space<vmem>>)
      tpu.yield
    }) : () -> ()
    %iota3A = tpu.iota {dimensions = array<i32: 0>} : vector<16xi32>
    %add3A_3 = arith.constant 0 : i32
    %add3A_4 = vector.broadcast %add3A_3 : i32 to vector<16xi32>
    %add3A_5 = arith.addi %add3A_4, %iota3A : vector<16xi32>
    %add3A_6 = arith.constant 16 : i32
    %add3A_7 = vector.broadcast %add3A_6 : i32 to vector<16xi32>
    %add3A_8 = arith.addi %add3A_7, %iota3A : vector<16xi32>
    %add3A_9 = arith.constant 32 : i32
    %add3A_10 = vector.broadcast %add3A_9 : i32 to vector<16xi32>
    %add3A_11 = arith.addi %add3A_10, %iota3A : vector<16xi32>
    %add3A_12 = arith.constant 48 : i32
    %add3A_13 = vector.broadcast %add3A_12 : i32 to vector<16xi32>
    %add3A_14 = arith.addi %add3A_13, %iota3A : vector<16xi32>
    %add3A_15 = arith.constant 64 : i32
    %add3A_16 = vector.broadcast %add3A_15 : i32 to vector<16xi32>
    %add3A_17 = arith.addi %add3A_16, %iota3A : vector<16xi32>
    %add3A_18 = arith.constant 80 : i32
    %add3A_19 = vector.broadcast %add3A_18 : i32 to vector<16xi32>
    %add3A_20 = arith.addi %add3A_19, %iota3A : vector<16xi32>
    %add3A_21 = arith.constant 96 : i32
    %add3A_22 = vector.broadcast %add3A_21 : i32 to vector<16xi32>
    %add3A_23 = arith.addi %add3A_22, %iota3A : vector<16xi32>
    %add3A_24 = arith.constant 112 : i32
    %add3A_25 = vector.broadcast %add3A_24 : i32 to vector<16xi32>
    %add3A_26 = arith.addi %add3A_25, %iota3A : vector<16xi32>
    %broadcast_in_dim3A = arith.constant 0.000000e+00 : f32
    %broadcast_in_dim3A_27 = vector.broadcast %broadcast_in_dim3A : f32 to vector<16xf32>
    %broadcast_in_dim3A_28 = arith.constant 0.000000e+00 : f32
    %broadcast_in_dim3A_29 = vector.broadcast %broadcast_in_dim3A_28 : f32 to vector<16xf32>
    %broadcast_in_dim3A_30 = arith.constant 0.000000e+00 : f32
    %broadcast_in_dim3A_31 = vector.broadcast %broadcast_in_dim3A_30 : f32 to vector<16xf32>
    %broadcast_in_dim3A_32 = arith.constant 0.000000e+00 : f32
    %broadcast_in_dim3A_33 = vector.broadcast %broadcast_in_dim3A_32 : f32 to vector<16xf32>
    %broadcast_in_dim3A_34 = arith.constant 0.000000e+00 : f32
    %broadcast_in_dim3A_35 = vector.broadcast %broadcast_in_dim3A_34 : f32 to vector<16xf32>
    %broadcast_in_dim3A_36 = arith.constant 0.000000e+00 : f32
    %broadcast_in_dim3A_37 = vector.broadcast %broadcast_in_dim3A_36 : f32 to vector<16xf32>
    %broadcast_in_dim3A_38 = arith.constant 0.000000e+00 : f32
    %broadcast_in_dim3A_39 = vector.broadcast %broadcast_in_dim3A_38 : f32 to vector<16xf32>
    %broadcast_in_dim3A_40 = arith.constant 0.000000e+00 : f32
    %broadcast_in_dim3A_41 = vector.broadcast %broadcast_in_dim3A_40 : f32 to vector<16xf32>
    %parallel_loop3A = arith.constant 0 : i32
    %parallel_loop3A_42 = arith.constant 50 : i32
    %parallel_loop3A_43 = arith.constant 1 : i32
    %parallel_loop3A_44:8 = scf.for %parallel_loop3A_60 = %parallel_loop3A to %parallel_loop3A_42 step %parallel_loop3A_43 iter_args(%parallel_loop3A_61 = %broadcast_in_dim3A_27, %parallel_loop3A_62 = %broadcast_in_dim3A_29, %parallel_loop3A_63 = %broadcast_in_dim3A_31, %parallel_loop3A_64 = %broadcast_in_dim3A_33, %parallel_loop3A_65 = %broadcast_in_dim3A_35, %parallel_loop3A_66 = %broadcast_in_dim3A_37, %parallel_loop3A_67 = %broadcast_in_dim3A_39, %parallel_loop3A_68 = %broadcast_in_dim3A_41) -> (vector<16xf32>, vector<16xf32>, vector<16xf32>, vector<16xf32>, vector<16xf32>, vector<16xf32>, vector<16xf32>, vector<16xf32>)  : i32 {
      %parallel_loop3A_69 = arith.index_cast %parallel_loop3A_60 : i32 to index
      %parallel_loop3A_70 = arith.constant 0 : index
      %parallel_loop3A_71 = tpu.vector_load %arg6[%parallel_loop3A_69, %parallel_loop3A_70] {strides = array<i32>} : memref<50x128xi32, #tpu.memory_space<vmem>>, vector<16xi32>,
      %parallel_loop3A_72 = arith.constant 127 : i32
      %parallel_loop3A_73 = vector.broadcast %parallel_loop3A_72 : i32 to vector<16xi32>
      %parallel_loop3A_74 = arith.andi %parallel_loop3A_71, %parallel_loop3A_73 : vector<16xi32>
      %parallel_loop3A_75 = arith.constant 7 : i32
      %parallel_loop3A_76 = vector.broadcast %parallel_loop3A_75 : i32 to vector<16xi32>
      %parallel_loop3A_77 = arith.shrui %parallel_loop3A_71, %parallel_loop3A_76 : vector<16xi32>
      %parallel_loop3A_78 = tpu.vector_load_idx %arg5[%add3A_5, %parallel_loop3A_74] : memref<128x128xf32, #tpu.memory_space<vmem>>[vector<16xi32>, vector<16xi32>], vector<16xf32>,
      %parallel_loop3A_79 = tpu.vector_load_idx %arg5[%add3A_5, %parallel_loop3A_77] : memref<128x128xf32, #tpu.memory_space<vmem>>[vector<16xi32>, vector<16xi32>], vector<16xf32>,
      %parallel_loop3A_80 = arith.constant 5.000000e+00 : f32
      %parallel_loop3A_81 = vector.broadcast %parallel_loop3A_80 : f32 to vector<16xf32>
      %parallel_loop3A_82 = arith.addf %parallel_loop3A_81, %parallel_loop3A_78 : vector<16xf32>
      %parallel_loop3A_83 = arith.subf %parallel_loop3A_82, %parallel_loop3A_79 : vector<16xf32>
      %parallel_loop3A_84 = arith.constant 0.000000e+00 : f32
      %parallel_loop3A_85 = vector.broadcast %parallel_loop3A_84 : f32 to vector<16xf32>
      %parallel_loop3A_86 = arith.maximumf %parallel_loop3A_85, %parallel_loop3A_83 : vector<16xf32>
      %parallel_loop3A_87 = arith.addf %parallel_loop3A_61, %parallel_loop3A_86 : vector<16xf32>
      %parallel_loop3A_88 = arith.index_cast %parallel_loop3A_60 : i32 to index
      %parallel_loop3A_89 = arith.constant 16 : index
      %parallel_loop3A_90 = tpu.vector_load %arg6[%parallel_loop3A_88, %parallel_loop3A_89] {strides = array<i32>} : memref<50x128xi32, #tpu.memory_space<vmem>>, vector<16xi32>,
      %parallel_loop3A_91 = arith.constant 127 : i32
      %parallel_loop3A_92 = vector.broadcast %parallel_loop3A_91 : i32 to vector<16xi32>
      %parallel_loop3A_93 = arith.andi %parallel_loop3A_90, %parallel_loop3A_92 : vector<16xi32>
      %parallel_loop3A_94 = arith.constant 7 : i32
      %parallel_loop3A_95 = vector.broadcast %parallel_loop3A_94 : i32 to vector<16xi32>
      %parallel_loop3A_96 = arith.shrui %parallel_loop3A_90, %parallel_loop3A_95 : vector<16xi32>
      %parallel_loop3A_97 = tpu.vector_load_idx %arg5[%add3A_8, %parallel_loop3A_93] : memref<128x128xf32, #tpu.memory_space<vmem>>[vector<16xi32>, vector<16xi32>], vector<16xf32>,
      %parallel_loop3A_98 = tpu.vector_load_idx %arg5[%add3A_8, %parallel_loop3A_96] : memref<128x128xf32, #tpu.memory_space<vmem>>[vector<16xi32>, vector<16xi32>], vector<16xf32>,
      %parallel_loop3A_99 = arith.constant 5.000000e+00 : f32
      %parallel_loop3A_100 = vector.broadcast %parallel_loop3A_99 : f32 to vector<16xf32>
      %parallel_loop3A_101 = arith.addf %parallel_loop3A_100, %parallel_loop3A_97 : vector<16xf32>
      %parallel_loop3A_102 = arith.subf %parallel_loop3A_101, %parallel_loop3A_98 : vector<16xf32>
      %parallel_loop3A_103 = arith.constant 0.000000e+00 : f32
      %parallel_loop3A_104 = vector.broadcast %parallel_loop3A_103 : f32 to vector<16xf32>
      %parallel_loop3A_105 = arith.maximumf %parallel_loop3A_104, %parallel_loop3A_102 : vector<16xf32>
      %parallel_loop3A_106 = arith.addf %parallel_loop3A_62, %parallel_loop3A_105 : vector<16xf32>
      %parallel_loop3A_107 = arith.index_cast %parallel_loop3A_60 : i32 to index
      %parallel_loop3A_108 = arith.constant 32 : index
      %parallel_loop3A_109 = tpu.vector_load %arg6[%parallel_loop3A_107, %parallel_loop3A_108] {strides = array<i32>} : memref<50x128xi32, #tpu.memory_space<vmem>>, vector<16xi32>,
      %parallel_loop3A_110 = arith.constant 127 : i32
      %parallel_loop3A_111 = vector.broadcast %parallel_loop3A_110 : i32 to vector<16xi32>
      %parallel_loop3A_112 = arith.andi %parallel_loop3A_109, %parallel_loop3A_111 : vector<16xi32>
      %parallel_loop3A_113 = arith.constant 7 : i32
      %parallel_loop3A_114 = vector.broadcast %parallel_loop3A_113 : i32 to vector<16xi32>
      %parallel_loop3A_115 = arith.shrui %parallel_loop3A_109, %parallel_loop3A_114 : vector<16xi32>
      %parallel_loop3A_116 = tpu.vector_load_idx %arg5[%add3A_11, %parallel_loop3A_112] : memref<128x128xf32, #tpu.memory_space<vmem>>[vector<16xi32>, vector<16xi32>], vector<16xf32>,
      %parallel_loop3A_117 = tpu.vector_load_idx %arg5[%add3A_11, %parallel_loop3A_115] : memref<128x128xf32, #tpu.memory_space<vmem>>[vector<16xi32>, vector<16xi32>], vector<16xf32>,
      %parallel_loop3A_118 = arith.constant 5.000000e+00 : f32
      %parallel_loop3A_119 = vector.broadcast %parallel_loop3A_118 : f32 to vector<16xf32>
      %parallel_loop3A_120 = arith.addf %parallel_loop3A_119, %parallel_loop3A_116 : vector<16xf32>
      %parallel_loop3A_121 = arith.subf %parallel_loop3A_120, %parallel_loop3A_117 : vector<16xf32>
      %parallel_loop3A_122 = arith.constant 0.000000e+00 : f32
      %parallel_loop3A_123 = vector.broadcast %parallel_loop3A_122 : f32 to vector<16xf32>
      %parallel_loop3A_124 = arith.maximumf %parallel_loop3A_123, %parallel_loop3A_121 : vector<16xf32>
      %parallel_loop3A_125 = arith.addf %parallel_loop3A_63, %parallel_loop3A_124 : vector<16xf32>
      %parallel_loop3A_126 = arith.index_cast %parallel_loop3A_60 : i32 to index
      %parallel_loop3A_127 = arith.constant 48 : index
      %parallel_loop3A_128 = tpu.vector_load %arg6[%parallel_loop3A_126, %parallel_loop3A_127] {strides = array<i32>} : memref<50x128xi32, #tpu.memory_space<vmem>>, vector<16xi32>,
      %parallel_loop3A_129 = arith.constant 127 : i32
      %parallel_loop3A_130 = vector.broadcast %parallel_loop3A_129 : i32 to vector<16xi32>
      %parallel_loop3A_131 = arith.andi %parallel_loop3A_128, %parallel_loop3A_130 : vector<16xi32>
      %parallel_loop3A_132 = arith.constant 7 : i32
      %parallel_loop3A_133 = vector.broadcast %parallel_loop3A_132 : i32 to vector<16xi32>
      %parallel_loop3A_134 = arith.shrui %parallel_loop3A_128, %parallel_loop3A_133 : vector<16xi32>
      %parallel_loop3A_135 = tpu.vector_load_idx %arg5[%add3A_14, %parallel_loop3A_131] : memref<128x128xf32, #tpu.memory_space<vmem>>[vector<16xi32>, vector<16xi32>], vector<16xf32>,
      %parallel_loop3A_136 = tpu.vector_load_idx %arg5[%add3A_14, %parallel_loop3A_134] : memref<128x128xf32, #tpu.memory_space<vmem>>[vector<16xi32>, vector<16xi32>], vector<16xf32>,
      %parallel_loop3A_137 = arith.constant 5.000000e+00 : f32
      %parallel_loop3A_138 = vector.broadcast %parallel_loop3A_137 : f32 to vector<16xf32>
      %parallel_loop3A_139 = arith.addf %parallel_loop3A_138, %parallel_loop3A_135 : vector<16xf32>
      %parallel_loop3A_140 = arith.subf %parallel_loop3A_139, %parallel_loop3A_136 : vector<16xf32>
      %parallel_loop3A_141 = arith.constant 0.000000e+00 : f32
      %parallel_loop3A_142 = vector.broadcast %parallel_loop3A_141 : f32 to vector<16xf32>
      %parallel_loop3A_143 = arith.maximumf %parallel_loop3A_142, %parallel_loop3A_140 : vector<16xf32>
      %parallel_loop3A_144 = arith.addf %parallel_loop3A_64, %parallel_loop3A_143 : vector<16xf32>
      %parallel_loop3A_145 = arith.index_cast %parallel_loop3A_60 : i32 to index
      %parallel_loop3A_146 = arith.constant 64 : index
      %parallel_loop3A_147 = tpu.vector_load %arg6[%parallel_loop3A_145, %parallel_loop3A_146] {strides = array<i32>} : memref<50x128xi32, #tpu.memory_space<vmem>>, vector<16xi32>,
      %parallel_loop3A_148 = arith.constant 127 : i32
      %parallel_loop3A_149 = vector.broadcast %parallel_loop3A_148 : i32 to vector<16xi32>
      %parallel_loop3A_150 = arith.andi %parallel_loop3A_147, %parallel_loop3A_149 : vector<16xi32>
      %parallel_loop3A_151 = arith.constant 7 : i32
      %parallel_loop3A_152 = vector.broadcast %parallel_loop3A_151 : i32 to vector<16xi32>
      %parallel_loop3A_153 = arith.shrui %parallel_loop3A_147, %parallel_loop3A_152 : vector<16xi32>
      %parallel_loop3A_154 = tpu.vector_load_idx %arg5[%add3A_17, %parallel_loop3A_150] : memref<128x128xf32, #tpu.memory_space<vmem>>[vector<16xi32>, vector<16xi32>], vector<16xf32>,
      %parallel_loop3A_155 = tpu.vector_load_idx %arg5[%add3A_17, %parallel_loop3A_153] : memref<128x128xf32, #tpu.memory_space<vmem>>[vector<16xi32>, vector<16xi32>], vector<16xf32>,
      %parallel_loop3A_156 = arith.constant 5.000000e+00 : f32
      %parallel_loop3A_157 = vector.broadcast %parallel_loop3A_156 : f32 to vector<16xf32>
      %parallel_loop3A_158 = arith.addf %parallel_loop3A_157, %parallel_loop3A_154 : vector<16xf32>
      %parallel_loop3A_159 = arith.subf %parallel_loop3A_158, %parallel_loop3A_155 : vector<16xf32>
      %parallel_loop3A_160 = arith.constant 0.000000e+00 : f32
      %parallel_loop3A_161 = vector.broadcast %parallel_loop3A_160 : f32 to vector<16xf32>
      %parallel_loop3A_162 = arith.maximumf %parallel_loop3A_161, %parallel_loop3A_159 : vector<16xf32>
      %parallel_loop3A_163 = arith.addf %parallel_loop3A_65, %parallel_loop3A_162 : vector<16xf32>
      %parallel_loop3A_164 = arith.index_cast %parallel_loop3A_60 : i32 to index
      %parallel_loop3A_165 = arith.constant 80 : index
      %parallel_loop3A_166 = tpu.vector_load %arg6[%parallel_loop3A_164, %parallel_loop3A_165] {strides = array<i32>} : memref<50x128xi32, #tpu.memory_space<vmem>>, vector<16xi32>,
      %parallel_loop3A_167 = arith.constant 127 : i32
      %parallel_loop3A_168 = vector.broadcast %parallel_loop3A_167 : i32 to vector<16xi32>
      %parallel_loop3A_169 = arith.andi %parallel_loop3A_166, %parallel_loop3A_168 : vector<16xi32>
      %parallel_loop3A_170 = arith.constant 7 : i32
      %parallel_loop3A_171 = vector.broadcast %parallel_loop3A_170 : i32 to vector<16xi32>
      %parallel_loop3A_172 = arith.shrui %parallel_loop3A_166, %parallel_loop3A_171 : vector<16xi32>
      %parallel_loop3A_173 = tpu.vector_load_idx %arg5[%add3A_20, %parallel_loop3A_169] : memref<128x128xf32, #tpu.memory_space<vmem>>[vector<16xi32>, vector<16xi32>], vector<16xf32>,
      %parallel_loop3A_174 = tpu.vector_load_idx %arg5[%add3A_20, %parallel_loop3A_172] : memref<128x128xf32, #tpu.memory_space<vmem>>[vector<16xi32>, vector<16xi32>], vector<16xf32>,
      %parallel_loop3A_175 = arith.constant 5.000000e+00 : f32
      %parallel_loop3A_176 = vector.broadcast %parallel_loop3A_175 : f32 to vector<16xf32>
      %parallel_loop3A_177 = arith.addf %parallel_loop3A_176, %parallel_loop3A_173 : vector<16xf32>
      %parallel_loop3A_178 = arith.subf %parallel_loop3A_177, %parallel_loop3A_174 : vector<16xf32>
      %parallel_loop3A_179 = arith.constant 0.000000e+00 : f32
      %parallel_loop3A_180 = vector.broadcast %parallel_loop3A_179 : f32 to vector<16xf32>
      %parallel_loop3A_181 = arith.maximumf %parallel_loop3A_180, %parallel_loop3A_178 : vector<16xf32>
      %parallel_loop3A_182 = arith.addf %parallel_loop3A_66, %parallel_loop3A_181 : vector<16xf32>
      %parallel_loop3A_183 = arith.index_cast %parallel_loop3A_60 : i32 to index
      %parallel_loop3A_184 = arith.constant 96 : index
      %parallel_loop3A_185 = tpu.vector_load %arg6[%parallel_loop3A_183, %parallel_loop3A_184] {strides = array<i32>} : memref<50x128xi32, #tpu.memory_space<vmem>>, vector<16xi32>,
      %parallel_loop3A_186 = arith.constant 127 : i32
      %parallel_loop3A_187 = vector.broadcast %parallel_loop3A_186 : i32 to vector<16xi32>
      %parallel_loop3A_188 = arith.andi %parallel_loop3A_185, %parallel_loop3A_187 : vector<16xi32>
      %parallel_loop3A_189 = arith.constant 7 : i32
      %parallel_loop3A_190 = vector.broadcast %parallel_loop3A_189 : i32 to vector<16xi32>
      %parallel_loop3A_191 = arith.shrui %parallel_loop3A_185, %parallel_loop3A_190 : vector<16xi32>
      %parallel_loop3A_192 = tpu.vector_load_idx %arg5[%add3A_23, %parallel_loop3A_188] : memref<128x128xf32, #tpu.memory_space<vmem>>[vector<16xi32>, vector<16xi32>], vector<16xf32>,
      %parallel_loop3A_193 = tpu.vector_load_idx %arg5[%add3A_23, %parallel_loop3A_191] : memref<128x128xf32, #tpu.memory_space<vmem>>[vector<16xi32>, vector<16xi32>], vector<16xf32>,
      %parallel_loop3A_194 = arith.constant 5.000000e+00 : f32
      %parallel_loop3A_195 = vector.broadcast %parallel_loop3A_194 : f32 to vector<16xf32>
      %parallel_loop3A_196 = arith.addf %parallel_loop3A_195, %parallel_loop3A_192 : vector<16xf32>
      %parallel_loop3A_197 = arith.subf %parallel_loop3A_196, %parallel_loop3A_193 : vector<16xf32>
      %parallel_loop3A_198 = arith.constant 0.000000e+00 : f32
      %parallel_loop3A_199 = vector.broadcast %parallel_loop3A_198 : f32 to vector<16xf32>
      %parallel_loop3A_200 = arith.maximumf %parallel_loop3A_199, %parallel_loop3A_197 : vector<16xf32>
      %parallel_loop3A_201 = arith.addf %parallel_loop3A_67, %parallel_loop3A_200 : vector<16xf32>
      %parallel_loop3A_202 = arith.index_cast %parallel_loop3A_60 : i32 to index
      %parallel_loop3A_203 = arith.constant 112 : index
      %parallel_loop3A_204 = tpu.vector_load %arg6[%parallel_loop3A_202, %parallel_loop3A_203] {strides = array<i32>} : memref<50x128xi32, #tpu.memory_space<vmem>>, vector<16xi32>,
      %parallel_loop3A_205 = arith.constant 127 : i32
      %parallel_loop3A_206 = vector.broadcast %parallel_loop3A_205 : i32 to vector<16xi32>
      %parallel_loop3A_207 = arith.andi %parallel_loop3A_204, %parallel_loop3A_206 : vector<16xi32>
      %parallel_loop3A_208 = arith.constant 7 : i32
      %parallel_loop3A_209 = vector.broadcast %parallel_loop3A_208 : i32 to vector<16xi32>
      %parallel_loop3A_210 = arith.shrui %parallel_loop3A_204, %parallel_loop3A_209 : vector<16xi32>
      %parallel_loop3A_211 = tpu.vector_load_idx %arg5[%add3A_26, %parallel_loop3A_207] : memref<128x128xf32, #tpu.memory_space<vmem>>[vector<16xi32>, vector<16xi32>], vector<16xf32>,
      %parallel_loop3A_212 = tpu.vector_load_idx %arg5[%add3A_26, %parallel_loop3A_210] : memref<128x128xf32, #tpu.memory_space<vmem>>[vector<16xi32>, vector<16xi32>], vector<16xf32>,
      %parallel_loop3A_213 = arith.constant 5.000000e+00 : f32
      %parallel_loop3A_214 = vector.broadcast %parallel_loop3A_213 : f32 to vector<16xf32>
      %parallel_loop3A_215 = arith.addf %parallel_loop3A_214, %parallel_loop3A_211 : vector<16xf32>
      %parallel_loop3A_216 = arith.subf %parallel_loop3A_215, %parallel_loop3A_212 : vector<16xf32>
      %parallel_loop3A_217 = arith.constant 0.000000e+00 : f32
      %parallel_loop3A_218 = vector.broadcast %parallel_loop3A_217 : f32 to vector<16xf32>
      %parallel_loop3A_219 = arith.maximumf %parallel_loop3A_218, %parallel_loop3A_216 : vector<16xf32>
      %parallel_loop3A_220 = arith.addf %parallel_loop3A_68, %parallel_loop3A_219 : vector<16xf32>
      scf.yield %parallel_loop3A_87, %parallel_loop3A_106, %parallel_loop3A_125, %parallel_loop3A_144, %parallel_loop3A_163, %parallel_loop3A_182, %parallel_loop3A_201, %parallel_loop3A_220 : vector<16xf32>, vector<16xf32>, vector<16xf32>, vector<16xf32>, vector<16xf32>, vector<16xf32>, vector<16xf32>, vector<16xf32>
    } {sc.loop_unroll_factor = 2 : i64, sc.parallel_access}
    %swap3A = arith.constant 0 : index
    %swap3A_45 = tpu.vector_load %arg7[%swap3A] {strides = array<i32>} : memref<128xf32, #tpu.memory_space<vmem>>, vector<16xf32>,
    tpu.vector_store %arg7[%swap3A], %parallel_loop3A_44#0 {strides = array<i32>} : memref<128xf32, #tpu.memory_space<vmem>>, vector<16xf32>,
    %swap3A_46 = arith.constant 16 : index
    %swap3A_47 = tpu.vector_load %arg7[%swap3A_46] {strides = array<i32>} : memref<128xf32, #tpu.memory_space<vmem>>, vector<16xf32>,
    tpu.vector_store %arg7[%swap3A_46], %parallel_loop3A_44#1 {strides = array<i32>} : memref<128xf32, #tpu.memory_space<vmem>>, vector<16xf32>,
    %swap3A_48 = arith.constant 32 : index
    %swap3A_49 = tpu.vector_load %arg7[%swap3A_48] {strides = array<i32>} : memref<128xf32, #tpu.memory_space<vmem>>, vector<16xf32>,
    tpu.vector_store %arg7[%swap3A_48], %parallel_loop3A_44#2 {strides = array<i32>} : memref<128xf32, #tpu.memory_space<vmem>>, vector<16xf32>,
    %swap3A_50 = arith.constant 48 : index
    %swap3A_51 = tpu.vector_load %arg7[%swap3A_50] {strides = array<i32>} : memref<128xf32, #tpu.memory_space<vmem>>, vector<16xf32>,
    tpu.vector_store %arg7[%swap3A_50], %parallel_loop3A_44#3 {strides = array<i32>} : memref<128xf32, #tpu.memory_space<vmem>>, vector<16xf32>,
    %swap3A_52 = arith.constant 64 : index
    %swap3A_53 = tpu.vector_load %arg7[%swap3A_52] {strides = array<i32>} : memref<128xf32, #tpu.memory_space<vmem>>, vector<16xf32>,
    tpu.vector_store %arg7[%swap3A_52], %parallel_loop3A_44#4 {strides = array<i32>} : memref<128xf32, #tpu.memory_space<vmem>>, vector<16xf32>,
    %swap3A_54 = arith.constant 80 : index
    %swap3A_55 = tpu.vector_load %arg7[%swap3A_54] {strides = array<i32>} : memref<128xf32, #tpu.memory_space<vmem>>, vector<16xf32>,
    tpu.vector_store %arg7[%swap3A_54], %parallel_loop3A_44#5 {strides = array<i32>} : memref<128xf32, #tpu.memory_space<vmem>>, vector<16xf32>,
    %swap3A_56 = arith.constant 96 : index
    %swap3A_57 = tpu.vector_load %arg7[%swap3A_56] {strides = array<i32>} : memref<128xf32, #tpu.memory_space<vmem>>, vector<16xf32>,
    tpu.vector_store %arg7[%swap3A_56], %parallel_loop3A_44#6 {strides = array<i32>} : memref<128xf32, #tpu.memory_space<vmem>>, vector<16xf32>,
    %swap3A_58 = arith.constant 112 : index
    %swap3A_59 = tpu.vector_load %arg7[%swap3A_58] {strides = array<i32>} : memref<128xf32, #tpu.memory_space<vmem>>, vector<16xf32>,
    tpu.vector_store %arg7[%swap3A_58], %parallel_loop3A_44#7 {strides = array<i32>} : memref<128xf32, #tpu.memory_space<vmem>>, vector<16xf32>,
    "tpu.region"() ({
      %run_scoped3A = tpu.sem_alloc : memref<!tpu.dma_semaphore, #tpu.memory_space<semaphore_mem>>
      %dma_start3A = tpu.memref_slice %arg4[%mul3A_2] : memref<4096xf32, #tpu.memory_space<hbm>> -> memref<128xf32, #tpu.memory_space<hbm>>
      %dma_start3A_60 = tpu.memref_slice %arg4[%mul3A_2] : memref<4096xf32, #tpu.memory_space<hbm>> -> memref<128xf32, #tpu.memory_space<hbm>>
      tpu.enqueue_dma source(%arg7 : memref<128xf32, #tpu.memory_space<vmem>>) target(%dma_start3A_60 : memref<128xf32, #tpu.memory_space<hbm>>) target_semaphore(%run_scoped3A : memref<!tpu.dma_semaphore, #tpu.memory_space<semaphore_mem>>)
      %dma_wait3A = tpu.memref_slice %arg4[%mul3A_2] : memref<4096xf32, #tpu.memory_space<hbm>> -> memref<128xf32, #tpu.memory_space<hbm>>
      %dma_wait3A_61 = tpu.memref_slice %arg4[%mul3A_2] : memref<4096xf32, #tpu.memory_space<hbm>> -> memref<128xf32, #tpu.memory_space<hbm>>
      tpu.wait_dma2 semaphore(%run_scoped3A : memref<!tpu.dma_semaphore, #tpu.memory_space<semaphore_mem>>) src(%arg7 : memref<128xf32, #tpu.memory_space<vmem>>) dst(%dma_wait3A_61 : memref<128xf32, #tpu.memory_space<hbm>>)
      tpu.yield
    }) : () -> ()
    return
  }
}

module attributes {stable_mosaic.version = 14 : i64} {
  func.func @_scores_body(%arg0: i32, %arg1: memref<2048x64xf32, #tpu.memory_space<vmem>>, %arg2: memref<2048x1xf32, #tpu.memory_space<vmem>>, %arg3: memref<64x128xf32, #tpu.memory_space<vmem>>, %arg4: memref<1x128xf32, #tpu.memory_space<vmem>>, %arg5: memref<2048x128xf32, #tpu.memory_space<vmem>>) attributes {dimension_semantics = [#tpu.dimension_semantics<arbitrary>], iteration_bounds = array<i64: 2>, scalar_prefetch = 0 : i64, scratch_operands = 0 : i64, tpu.core_type = #tpu.core_type<tc>, window_params = [{transform_indices = @transform_0, window_bounds = array<i64: 2048, 64>}, {transform_indices = @transform_1, window_bounds = array<i64: 2048, 1>}, {pipeline_mode = #tpu.pipeline_mode<synchronous>, transform_indices = @transform_2, window_bounds = array<i64: 64, 128>}, {pipeline_mode = #tpu.pipeline_mode<synchronous>, transform_indices = @transform_3, window_bounds = array<i64: 1, 128>}, {transform_indices = @transform_4, window_bounds = array<i64: 2048, 128>}]} {
    %get3A = arith.constant 0 : index
    %get3A_0 = arith.constant 0 : index
    %get3A_1 = vector.load %arg1[%get3A, %get3A_0] : memref<2048x64xf32, #tpu.memory_space<vmem>>, vector<2048x64xf32>
    %get3A_2 = arith.constant 0 : index
    %get3A_3 = arith.constant 0 : index
    %get3A_4 = vector.load %arg2[%get3A_2, %get3A_3] : memref<2048x1xf32, #tpu.memory_space<vmem>>, vector<2048x1xf32>
    %get3A_5 = arith.constant 0 : index
    %get3A_6 = arith.constant 0 : index
    %get3A_7 = vector.load %arg3[%get3A_5, %get3A_6] : memref<64x128xf32, #tpu.memory_space<vmem>>, vector<64x128xf32>
    %get3A_8 = arith.constant 0 : index
    %get3A_9 = arith.constant 0 : index
    %get3A_10 = vector.load %arg4[%get3A_8, %get3A_9] : memref<1x128xf32, #tpu.memory_space<vmem>>, vector<1x128xf32>
    %neg3A = arith.constant 0.000000e+00 : f32
    %neg3A_11 = vector.broadcast %neg3A : f32 to vector<1x128xf32>
    %neg3A_12 = arith.subf %neg3A_11, %get3A_10 : vector<1x128xf32>
    %exp3A = math.exp %neg3A_12 : vector<1x128xf32>
    %mul3A = arith.mulf %get3A_7, %get3A_7 : vector<64x128xf32>
    %reduce_sum3A = arith.constant dense<0.000000e+00> : vector<128xf32>
    %reduce_sum3A_13 = vector.multi_reduction <add>, %mul3A, %reduce_sum3A [0] : vector<64x128xf32> to vector<128xf32>
    %broadcast_in_dim3A = vector.shape_cast %reduce_sum3A_13 : vector<128xf32> to vector<1x128xf32>
    %mul3A_14 = arith.mulf %get3A_1, %get3A_1 : vector<2048x64xf32>
    %reduce_sum3A_15 = arith.constant dense<0.000000e+00> : vector<2048xf32>
    %reduce_sum3A_16 = vector.multi_reduction <add>, %mul3A_14, %reduce_sum3A_15 [1] : vector<2048x64xf32> to vector<2048xf32>
    %broadcast_in_dim3A_17 = vector.shape_cast %reduce_sum3A_16 : vector<2048xf32> to vector<2048x1xf32>
    %dot_general3A = arith.constant dense<0.000000e+00> : vector<2048x128xf32>
    %dot_general3A_18 = tpu.matmul %get3A_1, %get3A_7, %dot_general3A {dimension_numbers = #tpu.dot_dimension_numbers<[1], [0], [0], [1], [0, 0, 1, 1], [], []>, transpose_lhs_hint = false} : vector<2048x64xf32>, vector<64x128xf32>, vector<2048x128xf32> -> vector<2048x128xf32>
    %mul3A_19 = arith.constant 3.200000e+01 : f32
    %mul3A_20 = vector.broadcast %mul3A_19 : f32 to vector<1x128xf32>
    %mul3A_21 = arith.mulf %mul3A_20, %get3A_10 : vector<1x128xf32>
    %mul3A_22 = arith.constant 3.200000e+01 : f32
    %mul3A_23 = vector.broadcast %mul3A_22 : f32 to vector<2048x1xf32>
    %mul3A_24 = arith.mulf %mul3A_23, %get3A_4 : vector<2048x1xf32>
    %add3A = vector.broadcast %broadcast_in_dim3A_17 : vector<2048x1xf32> to vector<2048x128xf32>
    %add3A_25 = vector.broadcast %broadcast_in_dim3A : vector<1x128xf32> to vector<2048x128xf32>
    %add3A_26 = arith.addf %add3A, %add3A_25 : vector<2048x128xf32>
    %mul3A_27 = arith.constant 5.000000e-01 : f32
    %mul3A_28 = vector.broadcast %mul3A_27 : f32 to vector<2048x128xf32>
    %mul3A_29 = arith.mulf %mul3A_28, %add3A_26 : vector<2048x128xf32>
    %add3A_30 = vector.broadcast %mul3A_24 : vector<2048x1xf32> to vector<2048x128xf32>
    %add3A_31 = arith.addf %add3A_30, %mul3A_29 : vector<2048x128xf32>
    %sub3A = arith.subf %add3A_31, %dot_general3A_18 : vector<2048x128xf32>
    %mul3A_32 = vector.broadcast %exp3A : vector<1x128xf32> to vector<2048x128xf32>
    %mul3A_33 = arith.mulf %sub3A, %mul3A_32 : vector<2048x128xf32>
    %add3A_34 = vector.broadcast %mul3A_21 : vector<1x128xf32> to vector<2048x128xf32>
    %add3A_35 = arith.addf %add3A_34, %mul3A_33 : vector<2048x128xf32>
    %log3A = math.log %get3A_4 : vector<2048x1xf32>
    %mul3A_36 = arith.constant 3.200000e+01 : f32
    %mul3A_37 = vector.broadcast %mul3A_36 : f32 to vector<2048x1xf32>
    %mul3A_38 = arith.mulf %mul3A_37, %log3A : vector<2048x1xf32>
    %sub3A_39 = vector.broadcast %mul3A_38 : vector<2048x1xf32> to vector<2048x128xf32>
    %sub3A_40 = arith.subf %add3A_35, %sub3A_39 : vector<2048x128xf32>
    %sub3A_41 = arith.constant 3.200000e+01 : f32
    %sub3A_42 = vector.broadcast %sub3A_41 : f32 to vector<2048x128xf32>
    %sub3A_43 = arith.subf %sub3A_40, %sub3A_42 : vector<2048x128xf32>
    %swap3A = arith.constant 0 : index
    %swap3A_44 = arith.constant 0 : index
    %swap3A_45 = vector.load %arg5[%swap3A, %swap3A_44] : memref<2048x128xf32, #tpu.memory_space<vmem>>, vector<2048x128xf32>
    tpu.vector_store %arg5[%swap3A, %swap3A_44], %sub3A_43 {strides = array<i32>} : memref<2048x128xf32, #tpu.memory_space<vmem>>, vector<2048x128xf32>,
    return
  }
  func.func @transform_0(%arg0: i32) -> (i32, i32) {
    %c0_i32 = arith.constant 0 : i32
    %c0_i32_0 = arith.constant 0 : i32
    return %arg0, %c0_i32 : i32, i32
  }
  func.func @transform_1(%arg0: i32) -> (i32, i32) {
    %c0_i32 = arith.constant 0 : i32
    %c0_i32_0 = arith.constant 0 : i32
    return %arg0, %c0_i32 : i32, i32
  }
  func.func @transform_2(%arg0: i32) -> (i32, i32) {
    %c0_i32 = arith.constant 0 : i32
    %c0_i32_0 = arith.constant 0 : i32
    %c0_i32_1 = arith.constant 0 : i32
    return %c0_i32, %c0_i32_0 : i32, i32
  }
  func.func @transform_3(%arg0: i32) -> (i32, i32) {
    %c0_i32 = arith.constant 0 : i32
    %c0_i32_0 = arith.constant 0 : i32
    %c0_i32_1 = arith.constant 0 : i32
    return %c0_i32, %c0_i32_0 : i32, i32
  }
  func.func @transform_4(%arg0: i32) -> (i32, i32) {
    %c0_i32 = arith.constant 0 : i32
    %c0_i32_0 = arith.constant 0 : i32
    return %arg0, %c0_i32 : i32, i32
  }
}

</mosaic_0001>

<sc_bundles>
// kernel: _impl.4.cloned.1.call-start
scs
__scs_entry_jumppad:
0x0: {  	(pc) =	sbr.rel $0x88, $3  }
0x1: {  	(tag) =	ssettag $0x0;
	lr =	simm.s32 $0x1  }
0x2: {  	[smem:$0x3F9B] =	sst lr;
	_ =	strace $0xD0000000  }
0x3: {  	_ = 	snop  }
0x4: {  	_ = 	snop  }
0x5: {  	_ = 	snop  }
0x6: {  	_ = 	snop  }
0x7: {  	_ = 	snop  }
__scs_overlays_trampoline_lowered:
0x8: {  	[smem:$0x3FAA] =	sst s0  }
0x9: {  	[smem:$0x3FAB] =	sst s1  }
0xa: {  	[smem:$0x3FAC] =	sst s2  }
0xb: {  	[smem:$0x3FAD] =	sst s3  }
0xc: {  	[smem:$0x3FAE] =	sst s4  }
0xd: {  	[smem:$0x3FAF] =	sst s5  }
0xe: {  	[smem:$0x3FB0] =	sst s6  }
0xf: {  	[smem:$0x3FB1] =	sst s7  }
0x10: {  	[smem:$0x3FB2] =	sst s8  }
0x11: {  	[smem:$0x3FB3] =	sst s9;
	s0 =	simm.s32 @!p0 $0x0  }
0x12: {  	s1 =	sld [smem:$0x3F99];
	s0 =	simm.s32 @p0 $0x1  }
0x13: {  	[smem:$0x3FB4] =	sst s0;
	s0 =	simm.s32 @!p1 $0x0  }
0x14: {  	s2 =	sld [smem:$0x3F98];
	s0 =	simm.s32 @p1 $0x1  }
0x15: {  	[smem:$0x3FB5] =	sst s0;
	s0 =	simm.s32 @!p2 $0x0  }
0x16: {  	s3 =	sld [smem:$0x3FDB];
	s0 =	simm.s32 @p2 $0x1  }
0x17: {  	s4 =	simm.s32 $0x1BF5;
	[smem:$0x3FB7] =	sst s0  }
0x18: {  	s0 =	sld [smem:$0x3F9A];
	_ =	swait.ge [sflag:s4], $0x0  }
0x19: {  	s7 =	sld [smem:$0x3F9B]  }
0x1a: {  	s8 =	sadd.s32 $0xFFFFE003, lr  }
0x1b: {  	s9 =	sadd.s32 $0xFFFFFEF7, lr;
	s5 =	simm.s32 $0xFFFFFFFF;
	p2 =	slt.u32 s8, $0xFFFFF086  }
0x1c: {  	p1 =	slt.u32 s9, $0xF7A;
	s5 =	simm.s32 @!p2 $0x0  }
0x1d: {  	s5 =	simm.s32 @p1 $0x1;
	p0 =	seq.s32 s7, s2  }
0x1e: {  	s7 =	smul.u32 @!p0 $0xF7A, s2;
	p2 =	seq.s32 @!p0 s5, $0x0  }
0x1f: {  	s9 =	smul.u32 $0xF7A, s1;
	s8 =	simm.s32 @!p0 $0x1BF5;
	p2 =	por !p2, p0  }
0x20: {  	[sflag:s8] =	ssyncset.s32 @!p0 $0xFFFFF086;
	s6 =	sadd.s32 @!p0 s3, s7;
	s7 =	simm.s32 @!p0 $0x108  }
0x21: {  	s3 =	sadd.s32 s3, s9;
	s6 =	sadd.s32 @!p0 $0x88, s6;
	s7 =	simm.s32 @p2 $0x1082  }
0x22: {  	[simem:s7], [sflag:s8] =	dma.local @!p0 [hbm:s6], $0xF7A  }
0x23: {  	s9 =	sor.u32 $0xD0000000, s2;
	s6 =	simm.s32 $0x108;
	_ =	swait.ge @!p0 [sflag:s8], $0x0  }
0x24: {  	s3 =	sadd.s32 $0x88, s3;
	s6 =	simm.s32 @!p1 $0x1082;
	[sflag:s4] =	ssyncset.s32 $0xFFFFF086  }
0x25: {  	[simem:s6], [sflag:s4] =	dma.local [hbm:s3], $0xF7A  }
0x26: {  	[smem:$0x3F9B] =	sst s1;
	(tag) =	ssettag s2;
	_ =	strace s9  }
0x27: {  	s1 =	sld [smem:$0x3FAB]  }
0x28: {  	s2 =	sld [smem:$0x3FAC]  }
0x29: {  	s4 =	sld [smem:$0x3FAE]  }
0x2a: {  	p0 =	seq.s32 s5, $0x0;
	s5 =	sld [smem:$0x3FAF]  }
0x2b: {  	s6 =	sld [smem:$0x3FB0]  }
0x2c: {  	s7 =	sld [smem:$0x3FB1]  }
0x2d: {  	s3 =	simm.s32 $0x108;
	s8 =	sld [smem:$0x3FB2]  }
0x2e: {  	s3 =	simm.s32 @!p0 $0x1082;
	s9 =	sld [smem:$0x3FB3]  }
0x2f: {  	lr =	sadd.s32 s0, s3;
	s0 =	sld [smem:$0x3FAA]  }
0x30: {  	s3 =	sld [smem:$0x3FAD]  }
0x31: {  	[smem:$0x3FB6] =	sst s10  }
0x32: {  	s10 =	sld [smem:$0x3FB4];
	_ =	sdelay $0x3  }
0x33: {  	p0 =	seq.s32 s10, $0x1;
	s10 =	sld [smem:$0x3FB6];
	_ =	sdelay $0x3  }
0x34: {  	[smem:$0x3FB6] =	sst s10  }
0x35: {  	s10 =	sld [smem:$0x3FB5];
	_ =	sdelay $0x3  }
0x36: {  	p1 =	seq.s32 s10, $0x1;
	s10 =	sld [smem:$0x3FB6];
	_ =	sdelay $0x3  }
0x37: {  	[smem:$0x3FB6] =	sst s10  }
0x38: {  	s10 =	sld [smem:$0x3FB7]  }
0x39: {  	_ = 	snop;
	(pc) =	sbr.ind lr, $3  }
0x3a: {  	_ = 	snop  }
0x3b: {  	_ = 	snop  }
0x3c: {  	p2 =	seq.s32 s10, $0x1;
	s10 =	sld [smem:$0x3FB6]  }
0x3d: {  	_ =	shalt  }
0x3e: {  	_ =	shalt  }
0x3f: {  	_ =	shalt  }
0x40: {  	_ =	shalt  }
0x41: {  	_ =	shalt  }
0x42: {  	_ =	shalt  }
0x43: {  	_ =	shalt  }
0x44: {  	_ =	shalt  }
0x45: {  	_ =	shalt  }
0x46: {  	_ =	shalt  }
0x47: {  	_ =	shalt  }
0x48: {  	_ =	shalt  }
0x49: {  	_ =	shalt  }
0x4a: {  	_ =	shalt  }
0x4b: {  	_ =	shalt  }
0x4c: {  	_ =	shalt  }
0x4d: {  	_ =	shalt  }
0x4e: {  	_ =	shalt  }
0x4f: {  	_ =	shalt  }
0x50: {  	_ =	shalt  }
0x51: {  	_ =	shalt  }
0x52: {  	_ =	shalt  }
0x53: {  	_ =	shalt  }
0x54: {  	_ =	shalt  }
0x55: {  	_ =	shalt  }
0x56: {  	_ =	shalt  }
0x57: {  	_ =	shalt  }
0x58: {  	_ =	shalt  }
0x59: {  	_ =	shalt  }
0x5a: {  	_ =	shalt  }
0x5b: {  	_ =	shalt  }
0x5c: {  	_ =	shalt  }
0x5d: {  	_ =	shalt  }
0x5e: {  	_ =	shalt  }
0x5f: {  	_ =	shalt  }
0x60: {  	_ =	shalt  }
0x61: {  	_ =	shalt  }
0x62: {  	_ =	shalt  }
0x63: {  	_ =	shalt  }
0x64: {  	_ =	shalt  }
0x65: {  	_ =	shalt  }
0x66: {  	_ =	shalt  }
0x67: {  	_ =	shalt  }
0x68: {  	_ =	shalt  }
0x69: {  	_ =	shalt  }
0x6a: {  	_ =	shalt  }
0x6b: {  	_ =	shalt  }
0x6c: {  	_ =	shalt  }
0x6d: {  	_ =	shalt  }
0x6e: {  	_ =	shalt  }
0x6f: {  	_ =	shalt  }
0x70: {  	_ =	shalt  }
0x71: {  	_ =	shalt  }
0x72: {  	_ =	shalt  }
0x73: {  	_ =	shalt  }
0x74: {  	_ =	shalt  }
0x75: {  	_ =	shalt  }
0x76: {  	_ =	shalt  }
0x77: {  	_ =	shalt  }
0x78: {  	_ =	shalt  }
0x79: {  	_ =	shalt  }
0x7a: {  	_ =	shalt  }
0x7b: {  	_ =	shalt  }
0x7c: {  	_ =	shalt  }
0x7d: {  	_ =	shalt  }
0x7e: {  	_ =	shalt  }
0x7f: {  	_ =	shalt  }
0x80: {  	_ =	shalt  }
0x81: {  	_ =	shalt  }
0x82: {  	_ =	shalt  }
0x83: {  	_ =	shalt  }
0x84: {  	_ =	shalt  }
0x85: {  	_ =	shalt  }
0x86: {  	_ =	shalt  }
0x87: {  	_ =	shalt  }
.Lfunc_end0:
.L_simem_size_0:
called_computation_lowered:
.L_overlay_start_0:
0x88: {  	s2 =	sld [smem:$0x3FD9]  }
0x89: {  	s3 =	sld [smem:$0x3FFE];
	_ =	sdelay $0x1  }
0x8a: {  	s1 =	srdreg.scid  }
0x8b: {  	s0 =	sand.u32 $0x1, s1  }
0x8c: {  	s17 =	sshll.u32 s0, $0xA;
	s2 =	sadd.s32 s3, s2  }
0x8d: {  	s2 =	sadd.s32 s2, s17  }
0x8e: {  	[smem:$0x3FC2] =	sst s2  }
0x8f: {  	_ = 	snop  }
0x90: {  	s2 =	sld [smem:$0x3FD0];
	(tm) =	ssettm $0x1  }
0x91: {  	s18 =	sld [smem:$0x3FFB];
	_ =	sdelay $0x3  }
0x92: {  	_ =	strace s18  }
0x93: {  	s3 =	sld [smem:$0x3FFC];
	_ =	sdelay $0x3  }
0x94: {  	_ =	strace s3  }
0x95: {  	s3 =	sld [smem:$0x3FFD];
	_ =	sdelay $0x3  }
0x96: {  	_ =	strace s3  }
0x97: {  	_ =	strace $0x8FFFFFFF  }
0x98: {  	s19 =	sld [smem:$0x3FDB];
	_ =	sdelay $0x1  }
0x99: {  	s4 =	simm.s32 $_scs_section_size  }
0x9a: {  	s5 =	simm.s32 $_size__tile_overlayer_lowered;
	s6 =	simm.s32 $_tile_overlayer_lowered  }
0x9b: {  	s22 =	simm.s32 $0x1BFF;
	s21 =	sshll.u32 s6, $0x1;
	s3 =	sadd.s32 s4, s19  }
0x9c: {  	s7 =	simm.s32 $0x0;
	s20 =	sshll.u32 s5, $0x1;
	s5 =	sadd.s32 s21, s3  }
0x9d: {  	[timem:s7], [sflag:s22] =	dma.local [hbm:s5], s20  }
0x9e: {  	_ =	swait.ge [sflag:s22], s20  }
0x9f: {  	s4 =	ssub.s32 $0x0, s20;
	[sflag:s22] =	ssyncset.done $0x0  }
0xa0: {  	[sflag:s22] =	ssyncadd.s32 s4;
	_ =	sdelay $0x1  }
0xa1: {  	s23 =	simm.s32 $0x1B8B  }
0xa2: {  	_ =	swait.ge [sflag:s23], $0x1  }
0xa3: {  	[sflag:s23] =	ssyncset.done $0x0  }
0xa4: {  	s25 =	simm.s32 $0x1B8E;
	s24 =	sld [smem:$0x3FFE];
	[sflag:s23] =	ssyncadd.s32 $0xFFFFFFFF  }
0xa5: {  	s26 =	simm.s32 $execute0_lowered;
	[smem:$0x3FD2] =	sst s25  }
0xa6: {  	s5 =	sshll.u32 s26, $0x1;
	_ =	strace $0x80000046;
	[dreg:$0x1] =	wrdreg $0xFFFFFFFF  }
0xa7: {  	s28 =	simm.s32 $_size_execute0_lowered;
	s3 =	sadd.s32 s3, s5;
	[dreg:$0x0] =	wrdreg $0x0  }
0xa8: {  	s5 =	sshll.u32 s28, $0x1;
	[dreg:$0x2] =	wrdreg s3  }
0xa9: {  	[dreg:$0x3] =	wrdreg s5  }
0xaa: {  	[dreg:$0x4] =	wrdreg $0xC0  }
0xab: {  	_ =	task [dreg:s7], $0x5FFFF  }
0xac: {  	[dreg:$0x1] =	wrdreg $0xFFFFFFFF  }
0xad: {  	[dreg:$0x0] =	wrdreg $0x60  }
0xae: {  	[dreg:$0x2] =	wrdreg s24  }
0xaf: {  	[dreg:$0x3] =	wrdreg s2  }
0xb0: {  	[dreg:$0x4] =	wrdreg $0x9  }
0xb1: {  	_ =	task.clear_ibuf [dreg:s7], $0x5FFFF;
	_ =	strace $0x90000046  }
0xb2: {  	s29 =	simm.s32 $0x9;
	_ =	strace $0x80000048  }
0xb3: {  	_ =	swait.ge [sflag:s29], $0x1  }
0xb4: {  	[sflag:s29] =	ssyncadd.s32 $0xFFFFFFFF  }
0xb5: {  	_ =	strace $0x90000048  }
0xb6: {  	_ =	sfence  }
0xb7: {  	s30 =	sld [smem:$0x0];
	_ =	sdelay $0x2  }
0xb8: {  	s31 =	sshll.u32 s1, $0xD;
	s1 =	sshrl.u32 s1, $0x2  }
0xb9: {  	s3 =	sand.u32 $0x4000, s31;
	s1 =	sadd.s32 s1, s30  }
0xba: {  	s0 =	sor.u32 s3, s0;
	s1 =	sshll.u32 s1, $0x11  }
0xbb: {  	s0 =	sor.u32 s1, s0  }
0xbc: {  	s0 =	sadd.s32 $0x8F2B, s0  }
0xbd: {  	[sflag:s0] =	ssyncadd.remote.s32 $0x1  }
0xbe: {  	_ =	sfence.sel $0xFFFF  }
0xbf: {  	[dreg:$0x0] =	wrdreg $0xFFFFFFFF;
	(pc) =	sbr.abs _section_cstart, $3  }
0xc0: {  	[dreg:$0x1] =	wrdreg $0xFFFFFFFF  }
0xc1: {  	_ =	task.clear_ibuf [dreg:s7], $0x2FFFF;
	_ =	strace $0x9FFFFFFF  }
0xc2: {  	(tm) =	ssettm $0x7FFFFFFF  }
0xc3: {  	_ =	shalt  }
tec
execute0_lowered:
.L_overlay_start_1:
0x0: {  	(tag) =	ssettag $0x1  }
0x1: {  	s1 =	srdreg.scid;
	s3 =	rddreg [dreg:$0x0]  }
0x2: {  	s0 =	stileid.u32;
	s5 =	rddreg [dreg:$0x1]  }
0x3: {  	s2 =	simm.s32 $0x0;
	s10 =	simm.s32 $0x4000;
	s12 =	simm.s32 $0x5800  }
0x4: {  	s13 =	simm.s32 $0x5C00;
	s14 =	simm.s32 $0x0;
	s4 =	sand.u32 $0x1, s1  }
0x5: {  	s6 =	sshll.u32 s0, $0x8;
	s1 =	rddreg [dreg:$0x2];
	s7 =	sshll.u32 s4, $0x7  }
0x6: {  	v0 =	vlaneseq.u32;
	[smem:$0x7FF] =	sst s2;
	s4 =	ssub.s32 $0x2, s4;
	s6 =	sor.u32 s7, s6  }
0x7: {  	v0 =	vmul.u32 $0x80, v0;
	_ =	strace $0x80000047;
	s8 =	sshrl.u32 s4, $0x1;
	s7 =	sshll.u32 s6, $0x4  }
0x8: {  	s9 =	sadd.s32 s6, s3;
	s8 =	ssub.s32 s4, s8;
	s6 =	sshrl.u32 s6, $0x3  }
0x9: {  	v1 =	vor.u32 $0x800, v0;
	s7 =	sadd.s32 s7, s3;
	s4 =	sadd.s32 $0x1000, s9;
	s5 =	sadd.s32 s5, s6  }
0xa: {  	v2 =	vor.u32 $0x1000, v0;
	v3 =	vor.u32 $0x1800, v0;
	v4 =	vor.u32 $0x2000, v0;
	s6 =	smax.u32 s8, $0x1;
	s8 =	simm.s32 $0x400;
	s9 =	simm.s32 $0x8000  }
0xb: {  	v5 =	vor.u32 $0x2800, v0;
	v6 =	vor.u32 $0x3000, v0;
	v7 =	vor.u32 $0x3800, v0;
	s3 =	sadd.s32 $0x8000, s7;
	s7 =	simm.s32 $0x1;
	s11 =	sadd.s32 $0x6000, s4  }
.LBB2_1:
0xc: {  	[tilespmem:s2], [sflag:$0x1] =	stream.linear.gather [hbm4b:s3+s2], $0x4000, $0x38;
	[tilespmem:$0x5C80] =	vst v63  }
0xd: {  	_ =	swait.ge [sflag:s7], $0x4000  }
0xe: {  	[sflag:s7] =	ssyncset.done $0x0  }
0xf: {  	[sflag:s7] =	ssyncadd.s32 $0xFFFFC000  }
0x10: {  	[tilespmem:s10], [sflag:$0x1] =	stream.strided.gather [hbm4b:s4+s8], $0x1800, s9, s8, $0x38;
	[tilespmem:$0x5C80] =	vst v63  }
0x11: {  	_ = 	snop  }
0x12: {  	[tilespmem:s12], [sflag:$0x1] =	stream.linear.gather [hbm4b:s11+s2], $0x100, $0x38;
	[tilespmem:$0x5C80] =	vst v63  }
0x13: {  	_ =	swait.ge [sflag:s7], $0x1900  }
0x14: {  	[sflag:s7] =	ssyncset.done $0x0  }
0x15: {  	s15 =	simm.s32 $0x4080;
	[sflag:s7] =	ssyncadd.s32 $0xFFFFE700  }
0x16: {  	v9 =	vld [tilespmem:s15+$0xFFFFFFB0]  }
0x17: {  	v10 =	vld [tilespmem:s15+$0x40]  }
0x18: {  	v11 =	vld [tilespmem:s15+$0x10]  }
0x19: {  	v12 =	vld [tilespmem:s15+$0xFFFFFF90]  }
0x1a: {  	v13 =	vld [tilespmem:s15+$0x30]  }
0x1b: {  	v14 =	vld [tilespmem:s15+$0x50]  }
0x1c: {  	v16 =	vld [tilespmem:s15+$0xFFFFFF80]  }
0x1d: {  	v17 =	vld [tilespmem:s15+$0x60]  }
0x1e: {  	v20 =	vld [tilespmem:s15+$0xFFFFFFF0]  }
0x1f: {  	v19 =	vld [tilespmem:s15+$0x70]  }
0x20: {  	v24 =	vld [tilespmem:s15+$0xFFFFFFE0];
	v8 =	vand.u32 $0x7F, v11  }
0x21: {  	v21 =	vld [tilespmem:s15+$0xFFFFFFD0];
	v18 =	vand.u32 $0x7F, v10;
	v15 =	vor.u32 v1, v8  }
0x22: {  	v26 =	vld [tilespmem:s15+$0xFFFFFFC0];
	v11 =	vshrl.u32 v11, $0x7;
	v23 =	vor.u32 v4, v18  }
0x23: {  	v28 =	vld [tilespmem:s15+$0xFFFFFFA0];
	v25 =	vand.u32 $0x7F, v13;
	v8 =	vand.u32 $0x7F, v16;
	v11 =	vadd.s32 v1, v11  }
0x24: {  	v31 =	vld [tilespmem:s15+$0x20];
	v13 =	vshrl.u32 v13, $0x7;
	v30 =	vand.u32 $0x7F, v14;
	v22 =	vor.u32 v0, v8  }
0x25: {  	v32 =	vand.u32 $0x7F, v24;
	v34 =	vand.u32 $0x7F, v19;
	v18 =	vld [tilespmem:s15+$0x0];
	v60 =	vadd.s32 v3, v13  }
0x26: {  	v37 =	vand.u32 $0x7F, v17;
	v44 =	vor.u32 v7, v34;
	v27 =	vld.idx.msk [tilespmem:v15+s2+$0x0], $0xffff;
	v15 =	vand.u32 $0x7F, v20  }
0x27: {  	v38 =	vshrl.u32 v17, $0x7;
	v13 =	vld.idx.msk [tilespmem:v23+s2+$0x0], $0xffff;
	v23 =	vand.u32 $0x7F, v9;
	v29 =	vor.u32 v7, v15  }
0x28: {  	v17 =	vshrl.u32 v16, $0x7;
	v11 =	vld.idx.msk [tilespmem:v11+s2+$0x0], $0xffff;
	v15 =	vshrl.u32 v21, $0x7;
	v61 =	vor.u32 v3, v23  }
0x29: {  	v39 =	vand.u32 $0x7F, v12;
	v35 =	vld.idx.msk [tilespmem:v22+s2+$0x0], $0xffff;
	v22 =	vshrl.u32 v19, $0x7;
	v33 =	vadd.s32 v5, v15  }
0x2a: {  	v42 =	vld.idx.msk [tilespmem:v60+s2+$0x0], $0xffff;
	v15 =	vshrl.u32 v14, $0x7;
	v14 =	vor.u32 v5, v30;
	v30 =	vor.u32 v6, v32  }
0x2b: {  	v12 =	vshrl.u32 v12, $0x7;
	v44 =	vld.idx.msk [tilespmem:v44+s2+$0x0], $0xffff;
	v16 =	vadd.s32 v7, v22;
	v22 =	vand.u32 $0x7F, v26  }
0x2c: {  	v24 =	vshrl.u32 v24, $0x7;
	v63 =	vshrl.u32 v31, $0x7;
	v36 =	vor.u32 v4, v22;
	v19 =	vld.idx.msk [tilespmem:v29+s2+$0x0], $0xffff  }
0x2d: {  	v12 =	vadd.s32 v1, v12;
	v24 =	vadd.s32 v6, v24;
	v29 =	vor.u32 v3, v25;
	v46 =	vld.idx.msk [tilespmem:v61+s2+$0x0], $0xffff  }
0x2e: {  	v41 =	vadd.s32 v2, v63;
	v8 =	vimm.f32 $0.0e+00;
	v9 =	vshrl.u32 v9, $0x7;
	v25 =	vld.idx.msk [tilespmem:v33+s2+$0x0], $0xffff  }
0x2f: {  	v21 =	vand.u32 $0x7F, v21;
	v9 =	vadd.s32 v3, v9;
	v22 =	vand.u32 $0x7F, v28;
	v23 =	vld.idx.msk [tilespmem:v30+s2+$0x0], $0xffff  }
0x30: {  	v32 =	vshrl.u32 v10, $0x7;
	v28 =	vshrl.u32 v28, $0x7;
	v40 =	vor.u32 v2, v22;
	v33 =	vld.idx.msk [tilespmem:v16+s2+$0x0], $0xffff  }
0x31: {  	v10 =	vimm.f32 $0.0e+00;
	v27 =	vadd.f32 $5.000000000e+00, v27;
	v30 =	vadd.s32 v2, v28;
	v43 =	vld.idx.msk [tilespmem:v36+s2+$0x0], $0xffff  }
0x32: {  	v28 =	vand.u32 $0x7F, v31;
	v31 =	vor.u32 v5, v21;
	v21 =	vshrl.u32 v26, $0x7;
	v62 =	vld.idx.msk [tilespmem:v29+s2+$0x0], $0xffff  }
0x33: {  	v22 =	vor.u32 v1, v39;
	v47 =	vor.u32 v2, v28;
	v34 =	vadd.s32 v4, v21;
	v21 =	vld.idx.msk [tilespmem:v12+s2+$0x0], $0xffff  }
0x34: {  	v39 =	vor.u32 v6, v37;
	v16 =	vshrl.u32 v20, $0x7;
	v28 =	vsub.f32 v27, v11;
	v27 =	vld.idx.msk [tilespmem:v24+s2+$0x0], $0xffff  }
0x35: {  	v20 =	vimm.f32 $0.0e+00;
	v36 =	vadd.s32 v7, v16;
	v16 =	vadd.f32 $5.000000000e+00, v35;
	v40 =	vld.idx.msk [tilespmem:v40+s2+$0x0], $0xffff  }
0x36: {  	v24 =	vimm.f32 $0.0e+00;
	v11 =	vimm.f32 $0.0e+00;
	v29 =	vld.idx.msk [tilespmem:v14+s2+$0x0], $0xffff;
	v14 =	vand.u32 $0x7F, v18  }
0x37: {  	v45 =	vld.idx.msk [tilespmem:v31+s2+$0x0], $0xffff;
	v31 =	vadd.s32 v6, v38;
	v38 =	vor.u32 v0, v14;
	v12 =	vadd.f32 $5.000000000e+00, v62  }
0x38: {  	v14 =	vimm.f32 $0.0e+00;
	v35 =	vadd.f32 $5.000000000e+00, v43;
	v37 =	vld.idx.msk [tilespmem:v47+s2+$0x0], $0xffff;
	v43 =	vadd.f32 $5.000000000e+00, v46  }
0x39: {  	s16 =	simm.s32 $0x0;
	v26 =	vsub.f32 v12, v42;
	v42 =	vld.idx.msk [tilespmem:v9+s2+$0x0], $0xffff;
	v9 =	vimm.f32 $0.0e+00;
	v12 =	vimm.f32 $0.0e+00  }
.LBB2_2:
0x3a: {  	s16 =	sadd.s32 $0x2, s16;
	v30 =	vld.idx.msk [tilespmem:v30+s2+$0x0], $0xffff;
	s15 =	sadd.s32 $0x100, s15  }
0x3b: {  	v44 =	vadd.f32 $5.000000000e+00, v44;
	p0 =	slt.u32 s16, $0x30;
	v34 =	vld.idx.msk [tilespmem:v34+s2+$0x0], $0xffff  }
0x3c: {  	v18 =	vshrl.u32 v18, $0x7;
	v45 =	vadd.f32 $5.000000000e+00, v45;
	v36 =	vld.idx.msk [tilespmem:v36+s2+$0x0], $0xffff  }
0x3d: {  	v32 =	vadd.s32 v4, v32;
	v18 =	vadd.s32 v0, v18;
	v33 =	vsub.f32 v44, v33;
	v41 =	vld.idx.msk [tilespmem:v41+s2+$0x0], $0xffff  }
0x3e: {  	v44 =	vsub.f32 v45, v25;
	v45 =	vadd.s32 v5, v15;
	v15 =	vld.idx.msk [tilespmem:v39+s2+$0x0], $0xffff  }
0x3f: {  	v25 =	vadd.f32 $5.000000000e+00, v29;
	v39 =	vadd.s32 v0, v17;
	v17 =	vsub.f32 v43, v42;
	v29 =	vld.idx.msk [tilespmem:v31+s2+$0x0], $0xffff  }
0x40: {  	v19 =	vadd.f32 $5.000000000e+00, v19;
	v37 =	vadd.f32 $5.000000000e+00, v37;
	v31 =	vmax.f32 v44, $0.0e+00;
	v22 =	vld.idx.msk [tilespmem:v22+s2+$0x0], $0xffff  }
0x41: {  	v23 =	vadd.f32 $5.000000000e+00, v23;
	v17 =	vmax.f32 v17, $0.0e+00;
	v34 =	vsub.f32 v35, v34;
	v35 =	vld.idx.msk [tilespmem:v38+s2+$0x0], $0xffff  }
0x42: {  	v28 =	vmax.f32 v28, $0.0e+00;
	v38 =	vadd.f32 $5.000000000e+00, v40;
	v19 =	vsub.f32 v19, v36;
	v32 =	vld.idx.msk [tilespmem:v32+s2+$0x0], $0xffff  }
0x43: {  	v8 =	vadd.f32 v17, v8;
	v17 =	vmax.f32 v34, $0.0e+00;
	v34 =	vld.idx.msk [tilespmem:v18+s2+$0x0], $0xffff;
	v18 =	vsub.f32 v37, v41  }
0x44: {  	v19 =	vmax.f32 v19, $0.0e+00;
	v37 =	vmax.f32 v26, $0.0e+00;
	v15 =	vadd.f32 $5.000000000e+00, v15;
	v36 =	vld [tilespmem:s15+$0xFFFFFFB0]  }
0x45: {  	v23 =	vsub.f32 v23, v27;
	v27 =	vmax.f32 v33, $0.0e+00;
	v8 =	vadd.f32 v37, v8;
	v26 =	vld [tilespmem:s15+$0x40]  }
0x46: {  	v30 =	vsub.f32 v38, v30;
	v22 =	vadd.f32 $5.000000000e+00, v22;
	v18 =	vmax.f32 v18, $0.0e+00;
	v33 =	vld [tilespmem:s15+$0x10]  }
0x47: {  	v23 =	vmax.f32 v23, $0.0e+00;
	v14 =	vadd.f32 v19, v14;
	v15 =	vsub.f32 v15, v29;
	v37 =	vld [tilespmem:s15+$0xFFFFFF90]  }
0x48: {  	v13 =	vadd.f32 $5.000000000e+00, v13;
	v20 =	vadd.f32 v31, v20;
	v29 =	vmax.f32 v30, $0.0e+00;
	v19 =	vld [tilespmem:s15+$0x30]  }
0x49: {  	v9 =	vadd.f32 v23, v9;
	v24 =	vadd.f32 v17, v24;
	v15 =	vmax.f32 v15, $0.0e+00;
	v30 =	vld [tilespmem:s15+$0x50]  }
0x4a: {  	v10 =	vadd.f32 v29, v10;
	v21 =	vsub.f32 v22, v21;
	v17 =	vand.u32 $0x7F, v26;
	v23 =	vld [tilespmem:s15+$0x60]  }
0x4b: {  	v9 =	vadd.f32 v15, v9;
	v22 =	vand.u32 $0x7F, v33;
	v29 =	vor.u32 v4, v17;
	v17 =	vld [tilespmem:s15+$0x70]  }
0x4c: {  	v10 =	vadd.f32 v18, v10;
	v33 =	vshrl.u32 v33, $0x7;
	v31 =	vld [tilespmem:s15+$0xFFFFFF80];
	v22 =	vor.u32 v1, v22  }
0x4d: {  	v38 =	vld [tilespmem:s15+$0xFFFFFFF0];
	v40 =	vand.u32 $0x7F, v19;
	v18 =	vshrl.u32 v19, $0x7;
	v19 =	vsub.f32 v13, v32  }
0x4e: {  	v32 =	vld [tilespmem:s15+$0xFFFFFFE0];
	v13 =	vand.u32 $0x7F, v30;
	v15 =	vshrl.u32 v30, $0x7;
	v30 =	vadd.f32 $5.000000000e+00, v35  }
0x4f: {  	v35 =	vld [tilespmem:s15+$0xFFFFFFD0];
	v41 =	vor.u32 v5, v13;
	v42 =	vand.u32 $0x7F, v23;
	v43 =	vshrl.u32 v23, $0x7  }
0x50: {  	v14 =	vadd.f32 v27, v14;
	v44 =	vld [tilespmem:s15+$0xFFFFFFC0];
	v46 =	vand.u32 $0x7F, v17;
	v13 =	vshrl.u32 v17, $0x7  }
0x51: {  	v27 =	vadd.s32 v1, v33;
	v23 =	vand.u32 $0x7F, v31;
	v17 =	vshrl.u32 v31, $0x7;
	v22 =	vld.idx.msk [tilespmem:v22+s2+$0x0], $0xffff  }
0x52: {  	v21 =	vmax.f32 v21, $0.0e+00;
	v23 =	vor.u32 v0, v23;
	v31 =	vld [tilespmem:s15+$0xFFFFFFA0];
	v33 =	vand.u32 $0x7F, v38  }
0x53: {  	v48 =	vadd.s32 v7, v13;
	v47 =	vand.u32 $0x7F, v32;
	v33 =	vor.u32 v7, v33;
	v45 =	vld.idx.msk [tilespmem:v45+s2+$0x0], $0xffff  }
0x54: {  	v11 =	vadd.f32 v21, v11;
	v13 =	vshrl.u32 v35, $0x7;
	v47 =	vor.u32 v6, v47;
	v49 =	vld [tilespmem:s15+$0x20]  }
0x55: {  	v51 =	vadd.s32 v3, v18;
	v21 =	vand.u32 $0x7F, v44;
	v50 =	vadd.s32 v5, v13;
	v39 =	vld.idx.msk [tilespmem:v39+s2+$0x0], $0xffff  }
0x56: {  	v11 =	vadd.f32 v28, v11;
	v13 =	vand.u32 $0x7F, v36;
	v21 =	vor.u32 v4, v21;
	v18 =	vld [tilespmem:s15+$0x0]  }
0x57: {  	v28 =	vor.u32 v3, v13;
	v53 =	vadd.f32 $5.000000000e+00, v22;
	v52 =	vld.idx.msk [tilespmem:v23+s2+$0x0], $0xffff;
	v23 =	vand.u32 $0x7F, v31  }
0x58: {  	v55 =	vmax.f32 v19, $0.0e+00;
	v22 =	vand.u32 $0x7F, v37;
	v54 =	vor.u32 v2, v23;
	v13 =	vld.idx.msk [tilespmem:v29+s2+$0x0], $0xffff  }
0x59: {  	v19 =	vshrl.u32 v37, $0x7;
	v22 =	vor.u32 v1, v22;
	v23 =	vsub.f32 v30, v34  }
0x5a: {  	v37 =	vadd.s32 v1, v19;
	v29 =	vshrl.u32 v31, $0x7;
	v31 =	vor.u32 v3, v40;
	v19 =	vld.idx.msk [tilespmem:v33+s2+$0x0], $0xffff  }
0x5b: {  	v30 =	vadd.s32 v2, v29;
	v29 =	vshrl.u32 v36, $0x7;
	v33 =	vsub.f32 v25, v45;
	v27 =	vld.idx.msk [tilespmem:v27+s2+$0x0], $0xffff  }
0x5c: {  	v45 =	vshrl.u32 v49, $0x7;
	v40 =	vand.u32 $0x7F, v18;
	v25 =	vld.idx.msk [tilespmem:v50+s2+$0x0], $0xffff;
	v50 =	vmax.f32 v23, $0.0e+00  }
0x5d: {  	v35 =	vand.u32 $0x7F, v35;
	v34 =	vand.u32 $0x7F, v49;
	v16 =	vsub.f32 v16, v39;
	v23 =	vld.idx.msk [tilespmem:v47+s2+$0x0], $0xffff  }
0x5e: {  	v49 =	vor.u32 v2, v34;
	v33 =	vmax.f32 v33, $0.0e+00;
	v47 =	vadd.s32 v3, v29;
	v51 =	vld.idx.msk [tilespmem:v51+s2+$0x0], $0xffff  }
0x5f: {  	v32 =	vshrl.u32 v32, $0x7;
	v16 =	vmax.f32 v16, $0.0e+00;
	v29 =	vshrl.u32 v44, $0x7;
	v31 =	vld.idx.msk [tilespmem:v31+s2+$0x0], $0xffff  }
0x60: {  	v39 =	vadd.s32 v6, v32;
	v20 =	vadd.f32 v33, v20;
	v34 =	vadd.s32 v4, v29;
	v29 =	vld.idx.msk [tilespmem:v41+s2+$0x0], $0xffff  }
0x61: {  	v12 =	vadd.f32 v16, v12;
	v56 =	vld.idx.msk [tilespmem:v21+s2+$0x0], $0xffff;
	v21 =	vshrl.u32 v38, $0x7;
	v38 =	vor.u32 v7, v46  }
0x62: {  	v24 =	vadd.f32 v55, v24;
	v16 =	vor.u32 v5, v35;
	v46 =	vld.idx.msk [tilespmem:v28+s2+$0x0], $0xffff;
	v36 =	vadd.s32 v7, v21  }
0x63: {  	v32 =	vshrl.u32 v26, $0x7;
	v12 =	vadd.f32 v50, v12;
	v28 =	vsub.f32 v53, v27;
	v33 =	vld.idx.msk [tilespmem:v48+s2+$0x0], $0xffff  }
0x64: {  	v41 =	vadd.s32 v2, v45;
	v21 =	vld.idx.msk [tilespmem:v37+s2+$0x0], $0xffff  }
0x65: {  	v26 =	vadd.f32 $5.000000000e+00, v31;
	v27 =	vld.idx.msk [tilespmem:v39+s2+$0x0], $0xffff  }
.Ltmp0:
0x66: {  	v39 =	vor.u32 v6, v42;
	v44 =	vld.idx.msk [tilespmem:v38+s2+$0x0], $0xffff;
	(pc) =	sbr.rel @p0 .LBB2_2-.Ltmp0, $4  }
0x67: {  	v31 =	vadd.s32 v6, v43;
	v26 =	vsub.f32 v26, v51;
	v45 =	vld.idx.msk [tilespmem:v16+s2+$0x0], $0xffff  }
0x68: {  	v37 =	vld.idx.msk [tilespmem:v49+s2+$0x0], $0xffff  }
0x69: {  	v35 =	vadd.f32 $5.000000000e+00, v56;
	v38 =	vor.u32 v0, v40;
	v16 =	vadd.f32 $5.000000000e+00, v52;
	v42 =	vld.idx.msk [tilespmem:v47+s2+$0x0], $0xffff  }
0x6a: {  	v43 =	vadd.f32 $5.000000000e+00, v46;
	v40 =	vld.idx.msk [tilespmem:v54+s2+$0x0], $0xffff  }
0x6b: {  	_ =	sdelay $0x3  }
0x6c: {  	v34 =	vld.idx.msk [tilespmem:v34+s2+$0x0], $0xffff  }
0x6d: {  	v36 =	vld.idx.msk [tilespmem:v36+s2+$0x0], $0xffff  }
0x6e: {  	v44 =	vadd.f32 $5.000000000e+00, v44;
	v41 =	vld.idx.msk [tilespmem:v41+s2+$0x0], $0xffff;
	v29 =	vadd.f32 $5.000000000e+00, v29  }
0x6f: {  	v17 =	vadd.s32 v0, v17;
	v39 =	vld.idx.msk [tilespmem:v39+s2+$0x0], $0xffff;
	v19 =	vadd.f32 $5.000000000e+00, v19;
	v23 =	vadd.f32 $5.000000000e+00, v23  }
0x70: {  	v18 =	vshrl.u32 v18, $0x7;
	v22 =	vld.idx.msk [tilespmem:v22+s2+$0x0], $0xffff;
	v13 =	vadd.f32 $5.000000000e+00, v13;
	v45 =	vadd.f32 $5.000000000e+00, v45  }
0x71: {  	v38 =	vld.idx.msk [tilespmem:v38+s2+$0x0], $0xffff;
	v32 =	vadd.s32 v4, v32;
	v33 =	vsub.f32 v44, v33;
	v37 =	vadd.f32 $5.000000000e+00, v37  }
0x72: {  	v30 =	vld.idx.msk [tilespmem:v30+s2+$0x0], $0xffff;
	v15 =	vadd.s32 v5, v15;
	v23 =	vsub.f32 v23, v27;
	v25 =	vsub.f32 v45, v25  }
0x73: {  	v18 =	vadd.s32 v0, v18;
	v42 =	vsub.f32 v43, v42;
	v40 =	vadd.f32 $5.000000000e+00, v40  }
0x74: {  	v50 =	vmax.f32 v28, $0.0e+00;
	v34 =	vsub.f32 v35, v34;
	v19 =	vsub.f32 v19, v36  }
0x75: {  	v26 =	vmax.f32 v26, $0.0e+00;
	v48 =	vsub.f32 v37, v41;
	v49 =	vadd.f32 $5.000000000e+00, v39  }
0x76: {  	v17 =	vld.idx.msk [tilespmem:v17+s2+$0x0], $0xffff;
	v47 =	vmax.f32 v42, $0.0e+00;
	v22 =	vadd.f32 $5.000000000e+00, v22;
	v52 =	vadd.f32 $5.000000000e+00, v38  }
0x77: {  	v25 =	vmax.f32 v25, $0.0e+00;
	v53 =	vld.idx.msk [tilespmem:v32+s2+$0x0], $0xffff;
	v8 =	vadd.f32 v47, v8;
	v51 =	vsub.f32 v40, v30  }
0x78: {  	v18 =	vld.idx.msk [tilespmem:v18+s2+$0x0], $0xffff;
	v61 =	vadd.f32 v25, v20;
	v54 =	vmax.f32 v34, $0.0e+00;
	v21 =	vsub.f32 v22, v21  }
0x79: {  	v19 =	vmax.f32 v19, $0.0e+00;
	v58 =	vmax.f32 v48, $0.0e+00;
	v8 =	vadd.f32 v26, v8  }
0x7a: {  	v15 =	vld.idx.msk [tilespmem:v15+s2+$0x0], $0xffff;
	v55 =	vmax.f32 v51, $0.0e+00;
	v57 =	vadd.f32 v54, v24;
	v63 =	vadd.f32 v19, v14  }
0x7b: {  	v56 =	vld.idx.msk [tilespmem:v31+s2+$0x0], $0xffff;
	v21 =	vmax.f32 v21, $0.0e+00;
	v10 =	vadd.f32 v55, v10;
	v16 =	vsub.f32 v16, v17  }
0x7c: {  	v11 =	vadd.f32 v21, v11;
	v13 =	vsub.f32 v13, v53;
	[tilespmem:$0x5C30] =	vst v8;
	v8 =	vmax.f32 v33, $0.0e+00  }
0x7d: {  	v18 =	vsub.f32 v52, v18;
	v10 =	vadd.f32 v58, v10;
	v16 =	vmax.f32 v16, $0.0e+00  }
0x7e: {  	v59 =	vmax.f32 v23, $0.0e+00;
	v8 =	vadd.f32 v8, v63;
	v12 =	vadd.f32 v16, v12  }
0x7f: {  	v15 =	vsub.f32 v29, v15;
	v11 =	vadd.f32 v50, v11;
	v18 =	vmax.f32 v18, $0.0e+00;
	[tilespmem:$0x5C20] =	vst v10  }
0x80: {  	v60 =	vsub.f32 v49, v56;
	v13 =	vmax.f32 v13, $0.0e+00;
	[tilespmem:$0x5C70] =	vst v8;
	v12 =	vadd.f32 v18, v12  }
0x81: {  	v9 =	vadd.f32 v59, v9;
	v62 =	vmax.f32 v15, $0.0e+00;
	v13 =	vadd.f32 v13, v57;
	[tilespmem:$0x5C10] =	vst v11  }
0x82: {  	v11 =	vadd.f32 v62, v61;
	[tilespmem:$0x5C00] =	vst v12;
	v12 =	vmax.f32 v60, $0.0e+00  }
0x83: {  	s14 =	sadd.s32 $0x1, s14;
	[tilespmem:$0x5C40] =	vst v13;
	v9 =	vadd.f32 v12, v9  }
0x84: {  	p0 =	sne.s32 s14, s6;
	[tilespmem:$0x5C50] =	vst v11  }
.Ltmp1:
0x85: {  	[tilespmem:$0x5C60] =	vst v9;
	(pc) =	sbr.rel @p0 .LBB2_1-.Ltmp1, $4  }
0x86: {  	[hbm4b:s5+s2] =	stream.linear.scatter [tilespmem:s13], [sflag:$0x1], $0x80, $0x38;
	[tilespmem:$0x5C80] =	vst v63  }
0x87: {  	_ =	swait.ge [sflag:s7], $0x80  }
0x88: {  	[sflag:s7] =	ssyncset.done $0x0  }
0x89: {  	[sflag:s7] =	ssyncadd.s32 $0xFFFFFF80  }
0x8a: {  	_ =	sfence.sel $0x180000  }
0x8b: {  	[bflag:$0x0] =	sbarrier.arrive $0xFFFF  }
0x8c: {  	p0 =	sne.s32 s0, $0x0;
	_ =	strace $0x90000047  }
0x8d: {  	s0 =	sadd.s32 @!p0 $0x100000, s1;
	[bflag:$0x2] =	sbarrier.arrive $0xFFFF  }
0x8e: {  	[sflag:s0] =	ssyncadd.tile.s32 @!p0 $0x1;
	_ =	shalt  }
.Lfunc_end2:
_tile_overlayer_lowered:
.L_overlay_start_2:
0x8f: {  	(tag) =	ssettag $0x2  }
0x90: {  	s0 =	rddreg [dreg:$0x0];
	s2 =	stileid.u32  }
0x91: {  	s1 =	rddreg [dreg:$0x1];
	p0 =	sne.s32 s2, $0x0  }
0x92: {  	s3 =	rddreg [dreg:$0x2];
	[bflag:$0x3] =	sbarrier.arrive $0xFFFF;
	s2 =	simm.s32 @!p0 $0x1C01  }
0x93: {  	[timem:s3], [sflag:s2] =	dma.local @!p0 [hbm:s0], s1  }
0x94: {  	s0 =	simm.s32 @!p0 $0x1  }
0x95: {  	_ =	swait.ge @!p0 [sflag:s0], s1  }
0x96: {  	s1 =	ssub.s32 @!p0 $0x0, s1;
	[sflag:s0] =	ssyncset.done @!p0 $0x0  }
0x97: {  	[sflag:s0] =	ssyncadd.s32 @!p0 s1  }
0x98: {  	[bflag:$0x3] =	sbarrier.arrive $0xFFFF  }
0x99: {  	_ =	shalt  }

</sc_bundles>
